<compile_context>
chip_gen: v7x
topology: tpu7x:2x2x1
jax: 0.10.2.dev20260603
libtpu: 0.0.44.dev20260713+nightly
codegen_flags: <defaults>
</compile_context>

<pallas_src>
import functools

import jax
import jax.numpy as jnp
from jax import lax
from jax.experimental import pallas as pl
from jax.experimental.pallas import tpu as pltpu
from jax.experimental.pallas import tpu_sc as plsc

_B, _C, _D, _V = 1024, 20, 64, 100000
_NC, _NS = 2, 16
_NW = _NC * _NS
_ROWS = _B * _C
_RPW = _ROWS // _NW
_TV = 2048
_NT = (_V + _TV - 1) // _TV
_TVL = _V - (_NT - 1) * _TV
_NBUF = 4


def _sc_gather_body(table_hbm, idx_hbm, out_hbm, idx_v, rows_v, sem):
    wid = lax.axis_index("s") * _NC + lax.axis_index("c")
    base = wid * _RPW
    pltpu.sync_copy(idx_hbm.at[pl.ds(base, _RPW)], idx_v)
    pltpu.async_copy(table_hbm.at[idx_v], rows_v, sem).wait()
    pltpu.sync_copy(rows_v, out_hbm.at[pl.ds(base, _RPW)])


@functools.cache
def _get_sc_gather():
    return pl.kernel(
        _sc_gather_body,
        out_type=jax.ShapeDtypeStruct((_ROWS, _D), jnp.bfloat16),
        mesh=plsc.VectorSubcoreMesh(core_axis_name="c", subcore_axis_name="s",
                                    num_cores=_NC, num_subcores=_NS),
        scratch_types=[
            pltpu.VMEM((_RPW,), jnp.int32),
            pltpu.VMEM((_RPW, _D), jnp.bfloat16),
            pltpu.SemaphoreType.DMA,
        ],
        compiler_params=pltpu.CompilerParams(use_tc_tiling_on_sc=False),
    )


def _tc_body(emb_hbm, wt_ref, b_hbm, out_hbm, xt_ref, emb_v, b_v,
             obuf, sems, sem_ld):
    i = pl.program_id(0)

    @pl.when(i == 0)
    def _():
        cp_e = pltpu.make_async_copy(emb_hbm, emb_v, sem_ld)
        cp_b = pltpu.make_async_copy(b_hbm, b_v, sem_ld)
        cp_e.start()
        cp_b.start()
        cp_e.wait()
        cp_b.wait()
        e = emb_v[...].astype(jnp.float32)
        ss = jnp.sum(e * e, axis=-1)
        scale = jnp.minimum(1.0, 1.0 / jnp.maximum(jnp.sqrt(ss), 1e-7))
        x = jnp.mean(e * scale[:, :, None], axis=1)
        xt_ref[...] = jnp.swapaxes(x, 0, 1)

    slot = lax.rem(i, _NBUF)

    @pl.when(i >= _NBUF)
    def _():
        j = i - _NBUF
        pltpu.make_async_copy(
            obuf.at[slot], out_hbm.at[pl.ds(j * _TV, _TV), :], sems.at[slot]
        ).wait()

    onehot = (lax.broadcasted_iota(jnp.int32, (_NT, 1), 0) == i)
    bcol = lax.dot_general(
        b_v[...], onehot.astype(jnp.float32), (((0,), (0,)), ((), ())),
        preferred_element_type=jnp.float32)
    obuf[slot] = lax.dot_general(
        wt_ref[...].astype(jnp.bfloat16), xt_ref[...].astype(jnp.bfloat16),
        (((0,), (0,)), ((), ())),
        preferred_element_type=jnp.float32) + bcol

    @pl.when(i < _NT - 1)
    def _():
        pltpu.make_async_copy(
            obuf.at[slot], out_hbm.at[pl.ds(i * _TV, _TV), :], sems.at[slot]
        ).start()

    @pl.when(i == _NT - 1)
    def _():
        pltpu.make_async_copy(
            obuf.at[slot, :_TVL, :],
            out_hbm.at[pl.ds((_NT - 1) * _TV, _TVL), :], sems.at[slot]
        ).start()
        for j in range(_NT - _NBUF, _NT - 1):
            pltpu.make_async_copy(
                obuf.at[j % _NBUF], out_hbm.at[pl.ds(j * _TV, _TV), :],
                sems.at[j % _NBUF]
            ).wait()
        pltpu.make_async_copy(
            obuf.at[(_NT - 1) % _NBUF, :_TVL, :],
            out_hbm.at[pl.ds((_NT - 1) * _TV, _TVL), :],
            sems.at[(_NT - 1) % _NBUF]
        ).wait()


_tc_project = pl.pallas_call(
    _tc_body,
    grid=(_NT,),
    in_specs=[
        pl.BlockSpec(memory_space=pl.ANY),
        pl.BlockSpec((_D, _TV), lambda i: (0, i)),
        pl.BlockSpec(memory_space=pl.ANY),
    ],
    out_specs=pl.BlockSpec(memory_space=pl.ANY),
    out_shape=jax.ShapeDtypeStruct((_V, _B), jnp.float32),
    scratch_shapes=[
        pltpu.VMEM((_D, _B), jnp.float32),
        pltpu.VMEM((_B, _C, _D), jnp.bfloat16),
        pltpu.VMEM((_NT, _TV), jnp.float32),
        pltpu.VMEM((_NBUF, _TV, _B), jnp.float32),
        pltpu.SemaphoreType.DMA((_NBUF,)),
        pltpu.SemaphoreType.DMA,
    ],
    compiler_params=pltpu.CompilerParams(vmem_limit_bytes=100 * 1024 * 1024),
)


def kernel(inputs_, emb_table, W, b):
    idx = inputs_.reshape(-1).astype(jnp.int32)
    rows = _get_sc_gather()(emb_table.astype(jnp.bfloat16), idx)
    emb = rows.reshape(_B, _C, _D)
    bp = jnp.pad(b, (0, _NT * _TV - _V)).reshape(_NT, _TV)
    logits_t = _tc_project(emb, W.T, bp)
    return logits_t.T

# --- scband reference (transcript-rebuilt; emitter-appended) ---
"""Pipeline reference for scband-cbow-model-25984552141545 (READ-ONLY COPY).

The authoritative reference and input builder live on the scoring server;
editing this copy changes nothing except your own understanding.
"""

import jax, jax.numpy as jnp
import numpy as np

EMBED_DIMENSION = 64
EMBED_MAX_NORM = 1.0
VOCAB_SIZE = 100000
BATCH = 1024
CTX = 20


def setup_inputs(seed: int = 0) -> dict:
    key = jax.random.key(seed)
    k1, k2, k3 = jax.random.split(key, 3)
    inputs_ = jax.random.randint(k1, (BATCH, CTX), 0, VOCAB_SIZE)
    emb_table = jax.random.normal(k2, (VOCAB_SIZE, EMBED_DIMENSION), dtype=jnp.float32) * 0.02
    W = jax.random.normal(k3, (VOCAB_SIZE, EMBED_DIMENSION), dtype=jnp.float32) * 0.02
    b = jnp.zeros((VOCAB_SIZE,), dtype=jnp.float32)
    return {"inputs_": inputs_, "emb_table": emb_table, "W": W, "b": b}


def reference(inputs_, emb_table, W, b):
    # Embedding lookup with max_norm semantics: rows that are looked up are
    # renormalized to have L2 norm <= EMBED_MAX_NORM (torch embedding_renorm_).
    emb = jnp.take(emb_table, inputs_, axis=0)  # [B, CTX, D]
    norms = jnp.linalg.norm(emb, axis=-1, keepdims=True)
    scale = jnp.minimum(1.0, EMBED_MAX_NORM / jnp.maximum(norms, 1e-7))
    emb = emb * scale
    # CBOW: mean over context window
    x = emb.mean(axis=1)  # [B, D]
    # Linear projection to vocab logits
    logits = x @ W.T + b  # [B, V]
    return logits

if __name__ == "__main__":
    import jax
    _d = setup_inputs()
    print(jax.jit(kernel)(*tuple(_d.values())))

</pallas_src>

<mosaic_0001>
#map = affine_map<(d0, d1) -> (0, 0)>
#map1 = affine_map<(d0, d1) -> (0)>
module attributes {stable_mosaic.version = 14 : i64} {
  func.func @_sc_gather_body(%arg0: i32, %arg1: i32, %arg2: memref<100000x64xbf16, #tpu.memory_space<hbm>>, %arg3: memref<20480xi32, #tpu.memory_space<hbm>>, %arg4: memref<20480x64xbf16, #tpu.memory_space<hbm>>, %arg5: memref<640xi32, #tpu.memory_space<vmem>>, %arg6: memref<640x64xbf16, #tpu.memory_space<vmem>>, %arg7: memref<!tpu.dma_semaphore, #tpu.memory_space<semaphore_mem>>) attributes {dimension_semantics = [#tpu.dimension_semantics<core_parallel>, #tpu.dimension_semantics<subcore_parallel>], iteration_bounds = array<i64: 2, 16>, scalar_prefetch = 0 : i64, scratch_operands = 3 : i64, tpu.core_type = #tpu.core_type<sc_vector_subcore>, window_params = [{transform_indices = #map}, {transform_indices = #map1}, {transform_indices = #map}]} {
    %mul3A = arith.constant 2 : i32
    %mul3A_0 = arith.muli %arg1, %mul3A : i32
    %add3A = arith.addi %mul3A_0, %arg0 : i32
    %mul3A_1 = arith.constant 640 : i32
    %mul3A_2 = arith.muli %add3A, %mul3A_1 : i32
    "tpu.region"() ({
      %run_scoped3A = tpu.sem_alloc : memref<!tpu.dma_semaphore, #tpu.memory_space<semaphore_mem>>
      %dma_start3A_7 = tpu.memref_slice %arg3[%mul3A_2] : memref<20480xi32, #tpu.memory_space<hbm>> -> memref<640xi32, #tpu.memory_space<hbm>>
      %dma_start3A_8 = tpu.memref_slice %arg3[%mul3A_2] : memref<20480xi32, #tpu.memory_space<hbm>> -> memref<640xi32, #tpu.memory_space<hbm>>
      tpu.enqueue_dma source(%dma_start3A_8 : memref<640xi32, #tpu.memory_space<hbm>>) target(%arg5 : memref<640xi32, #tpu.memory_space<vmem>>) target_semaphore(%run_scoped3A : memref<!tpu.dma_semaphore, #tpu.memory_space<semaphore_mem>>)
      %dma_wait3A_9 = tpu.memref_slice %arg3[%mul3A_2] : memref<20480xi32, #tpu.memory_space<hbm>> -> memref<640xi32, #tpu.memory_space<hbm>>
      %dma_wait3A_10 = tpu.memref_slice %arg3[%mul3A_2] : memref<20480xi32, #tpu.memory_space<hbm>> -> memref<640xi32, #tpu.memory_space<hbm>>
      tpu.wait_dma2 semaphore(%run_scoped3A : memref<!tpu.dma_semaphore, #tpu.memory_space<semaphore_mem>>) src(%dma_wait3A_10 : memref<640xi32, #tpu.memory_space<hbm>>) dst(%arg5 : memref<640xi32, #tpu.memory_space<vmem>>)
      tpu.yield
    }) : () -> ()
    %dma_start3A = arith.constant 0 : i32
    %dma_start3A_3 = arith.constant 0 : i32
    %dma_start3A_4 = tpu.memref_slice %arg2[%dma_start3A, %dma_start3A_3] : memref<100000x64xbf16, #tpu.memory_space<hbm>> -> memref<100000x64xbf16, #tpu.memory_space<hbm>>
    tpu.enqueue_indirect_dma source(%dma_start3A_4 : memref<100000x64xbf16, #tpu.memory_space<hbm>>) target(%arg6 : memref<640x64xbf16, #tpu.memory_space<vmem>>) offsets(%arg5 : memref<640xi32, #tpu.memory_space<vmem>>) semaphore(%arg7 : memref<!tpu.dma_semaphore, #tpu.memory_space<semaphore_mem>>)
    %dma_wait3A = arith.constant 0 : i32
    %dma_wait3A_5 = arith.constant 0 : i32
    %dma_wait3A_6 = tpu.memref_slice %arg2[%dma_wait3A, %dma_wait3A_5] : memref<100000x64xbf16, #tpu.memory_space<hbm>> -> memref<100000x64xbf16, #tpu.memory_space<hbm>>
    tpu.wait_indirect_dma semaphore(%arg7 : memref<!tpu.dma_semaphore, #tpu.memory_space<semaphore_mem>>) src(%dma_wait3A_6 : memref<100000x64xbf16, #tpu.memory_space<hbm>>) dst(%arg6 : memref<640x64xbf16, #tpu.memory_space<vmem>>)
    "tpu.region"() ({
      %run_scoped3A = tpu.sem_alloc : memref<!tpu.dma_semaphore, #tpu.memory_space<semaphore_mem>>
      %dma_start3A_7 = arith.constant 0 : i32
      %dma_start3A_8 = tpu.memref_slice %arg4[%mul3A_2, %dma_start3A_7] : memref<20480x64xbf16, #tpu.memory_space<hbm>> -> memref<640x64xbf16, #tpu.memory_space<hbm>>
      %dma_start3A_9 = arith.constant 0 : i32
      %dma_start3A_10 = tpu.memref_slice %arg4[%mul3A_2, %dma_start3A_9] : memref<20480x64xbf16, #tpu.memory_space<hbm>> -> memref<640x64xbf16, #tpu.memory_space<hbm>>
      tpu.enqueue_dma source(%arg6 : memref<640x64xbf16, #tpu.memory_space<vmem>>) target(%dma_start3A_10 : memref<640x64xbf16, #tpu.memory_space<hbm>>) target_semaphore(%run_scoped3A : memref<!tpu.dma_semaphore, #tpu.memory_space<semaphore_mem>>)
      %dma_wait3A_11 = arith.constant 0 : i32
      %dma_wait3A_12 = tpu.memref_slice %arg4[%mul3A_2, %dma_wait3A_11] : memref<20480x64xbf16, #tpu.memory_space<hbm>> -> memref<640x64xbf16, #tpu.memory_space<hbm>>
      %dma_wait3A_13 = arith.constant 0 : i32
      %dma_wait3A_14 = tpu.memref_slice %arg4[%mul3A_2, %dma_wait3A_13] : memref<20480x64xbf16, #tpu.memory_space<hbm>> -> memref<640x64xbf16, #tpu.memory_space<hbm>>
      tpu.wait_dma2 semaphore(%run_scoped3A : memref<!tpu.dma_semaphore, #tpu.memory_space<semaphore_mem>>) src(%arg6 : memref<640x64xbf16, #tpu.memory_space<vmem>>) dst(%dma_wait3A_14 : memref<640x64xbf16, #tpu.memory_space<hbm>>)
      tpu.yield
    }) : () -> ()
    return
  }
}

module attributes {stable_mosaic.version = 14 : i64} {
  func.func @_tc_body(%arg0: i32, %arg1: memref<1024x20x64xbf16, #tpu.memory_space<any>>, %arg2: memref<64x2048xf32, #tpu.memory_space<vmem>>, %arg3: memref<49x2048xf32, #tpu.memory_space<any>>, %arg4: memref<100000x1024xf32, #tpu.memory_space<any>>, %arg5: memref<64x1024xf32, #tpu.memory_space<vmem>>, %arg6: memref<1024x20x64xbf16, #tpu.memory_space<vmem>>, %arg7: memref<49x2048xf32, #tpu.memory_space<vmem>>, %arg8: memref<4x2048x1024xf32, #tpu.memory_space<vmem>>, %arg9: memref<4x!tpu.dma_semaphore, #tpu.memory_space<semaphore_mem>>, %arg10: memref<!tpu.dma_semaphore, #tpu.memory_space<semaphore_mem>>) attributes {dimension_semantics = [#tpu.dimension_semantics<arbitrary>], iteration_bounds = array<i64: 49>, scalar_prefetch = 0 : i64, scratch_operands = 6 : i64, tpu.core_type = #tpu.core_type<tc>, window_params = [{}, {transform_indices = @transform_1, window_bounds = array<i64: 64, 2048>}, {}, {}]} {
    %eq3A = arith.constant 0 : i32
    %eq3A_0 = arith.cmpi eq, %arg0, %eq3A : i32
    %convert_element_type3A = arith.extui %eq3A_0 : i1 to i32
    %cond3A = arith.constant 0 : i32
    %cond3A_1 = arith.cmpi ne, %convert_element_type3A, %cond3A : i32
    scf.if %cond3A_1 {
      tpu.enqueue_dma source(%arg1 : memref<1024x20x64xbf16, #tpu.memory_space<any>>) target(%arg6 : memref<1024x20x64xbf16, #tpu.memory_space<vmem>>) target_semaphore(%arg10 : memref<!tpu.dma_semaphore, #tpu.memory_space<semaphore_mem>>)
      tpu.enqueue_dma source(%arg3 : memref<49x2048xf32, #tpu.memory_space<any>>) target(%arg7 : memref<49x2048xf32, #tpu.memory_space<vmem>>) target_semaphore(%arg10 : memref<!tpu.dma_semaphore, #tpu.memory_space<semaphore_mem>>)
      tpu.wait_dma2 semaphore(%arg10 : memref<!tpu.dma_semaphore, #tpu.memory_space<semaphore_mem>>) src(%arg1 : memref<1024x20x64xbf16, #tpu.memory_space<any>>) dst(%arg6 : memref<1024x20x64xbf16, #tpu.memory_space<vmem>>)
      tpu.wait_dma2 semaphore(%arg10 : memref<!tpu.dma_semaphore, #tpu.memory_space<semaphore_mem>>) src(%arg3 : memref<49x2048xf32, #tpu.memory_space<any>>) dst(%arg7 : memref<49x2048xf32, #tpu.memory_space<vmem>>)
      %get3A_39 = arith.constant 0 : index
      %get3A_40 = arith.constant 0 : index
      %get3A_41 = arith.constant 0 : index
      %get3A_42 = vector.load %arg6[%get3A_39, %get3A_40, %get3A_41] : memref<1024x20x64xbf16, #tpu.memory_space<vmem>>, vector<1024x20x64xbf16>
      %convert_element_type3A_43 = arith.extf %get3A_42 : vector<1024x20x64xbf16> to vector<1024x20x64xf32>
      %mul3A = arith.mulf %convert_element_type3A_43, %convert_element_type3A_43 : vector<1024x20x64xf32>
      %reduce_sum3A = arith.constant dense<0.000000e+00> : vector<1024x20xf32>
      %reduce_sum3A_44 = vector.multi_reduction <add>, %mul3A, %reduce_sum3A [2] : vector<1024x20x64xf32> to vector<1024x20xf32>
      %sqrt3A = math.sqrt %reduce_sum3A_44 : vector<1024x20xf32>
      %max3A = arith.constant 1.000000e-07 : f32
      %max3A_45 = vector.broadcast %max3A : f32 to vector<1024x20xf32>
      %max3A_46 = arith.maximumf %sqrt3A, %max3A_45 : vector<1024x20xf32>
      %div3A = arith.constant 1.000000e+00 : f32
      %div3A_47 = vector.broadcast %div3A : f32 to vector<1024x20xf32>
      %div3A_48 = arith.divf %div3A_47, %max3A_46 : vector<1024x20xf32>
      %min3A = arith.constant 1.000000e+00 : f32
      %min3A_49 = vector.broadcast %min3A : f32 to vector<1024x20xf32>
      %min3A_50 = arith.minimumf %min3A_49, %div3A_48 : vector<1024x20xf32>
      %broadcast_in_dim3A = vector.shape_cast %min3A_50 : vector<1024x20xf32> to vector<1024x20x1xf32>
      %mul3A_51 = vector.broadcast %broadcast_in_dim3A : vector<1024x20x1xf32> to vector<1024x20x64xf32>
      %mul3A_52 = arith.mulf %convert_element_type3A_43, %mul3A_51 : vector<1024x20x64xf32>
      %reduce_sum3A_53 = arith.constant dense<0.000000e+00> : vector<1024x64xf32>
      %reduce_sum3A_54 = vector.multi_reduction <add>, %mul3A_52, %reduce_sum3A_53 [1] : vector<1024x20x64xf32> to vector<1024x64xf32>
      %div3A_55 = arith.constant 2.000000e+01 : f32
      %div3A_56 = vector.broadcast %div3A_55 : f32 to vector<1024x64xf32>
      %div3A_57 = arith.divf %reduce_sum3A_54, %div3A_56 : vector<1024x64xf32>
      %transpose3A = tpu.transpose %div3A_57, [1, 0] : vector<1024x64xf32> -> vector<64x1024xf32>
      %swap3A_58 = arith.constant 0 : index
      %swap3A_59 = arith.constant 0 : index
      %swap3A_60 = vector.load %arg5[%swap3A_58, %swap3A_59] : memref<64x1024xf32, #tpu.memory_space<vmem>>, vector<64x1024xf32>
      tpu.vector_store %arg5[%swap3A_58, %swap3A_59], %transpose3A {strides = array<i32>} : memref<64x1024xf32, #tpu.memory_space<vmem>>, vector<64x1024xf32>,
    } else {
    }
    %rem3A = arith.constant 4 : i32
    %rem3A_2 = arith.remsi %arg0, %rem3A : i32
    %ge3A = arith.constant 4 : i32
    %ge3A_3 = arith.cmpi sge, %arg0, %ge3A : i32
    %convert_element_type3A_4 = arith.extui %ge3A_3 : i1 to i32
    %cond3A_5 = arith.constant 0 : i32
    %cond3A_6 = arith.cmpi ne, %convert_element_type3A_4, %cond3A_5 : i32
    scf.if %cond3A_6 {
      %sub3A = arith.constant 4 : i32
      %sub3A_39 = arith.subi %arg0, %sub3A : i32
      %mul3A = arith.constant 2048 : i32
      %mul3A_40 = arith.muli %sub3A_39, %mul3A : i32
      %dma_wait3A = tpu.memref_slice %arg9[%rem3A_2] : memref<4x!tpu.dma_semaphore, #tpu.memory_space<semaphore_mem>> -> memref<1x!tpu.dma_semaphore, #tpu.memory_space<semaphore_mem>>
      %dma_wait3A_41 = tpu.memref_squeeze %dma_wait3A : memref<1x!tpu.dma_semaphore, #tpu.memory_space<semaphore_mem>> -> memref<!tpu.dma_semaphore, #tpu.memory_space<semaphore_mem>>
      %dma_wait3A_42 = arith.constant 0 : i32
      %dma_wait3A_43 = tpu.memref_slice %arg4[%mul3A_40, %dma_wait3A_42] : memref<100000x1024xf32, #tpu.memory_space<any>> -> memref<2048x1024xf32, #tpu.memory_space<any>>
      %dma_wait3A_44 = arith.constant 0 : i32
      %dma_wait3A_45 = arith.constant 0 : i32
      %dma_wait3A_46 = tpu.memref_slice %arg8[%rem3A_2, %dma_wait3A_44, %dma_wait3A_45] : memref<4x2048x1024xf32, #tpu.memory_space<vmem>> -> memref<1x2048x1024xf32, #tpu.memory_space<vmem>>
      %dma_wait3A_47 = tpu.memref_squeeze %dma_wait3A_46 : memref<1x2048x1024xf32, #tpu.memory_space<vmem>> -> memref<2048x1024xf32, #tpu.memory_space<vmem>>
      tpu.wait_dma2 semaphore(%dma_wait3A_41 : memref<!tpu.dma_semaphore, #tpu.memory_space<semaphore_mem>>) src(%dma_wait3A_47 : memref<2048x1024xf32, #tpu.memory_space<vmem>>) dst(%dma_wait3A_43 : memref<2048x1024xf32, #tpu.memory_space<any>>)
    } else {
    }
    %iota3A = tpu.iota {dimensions = array<i32: 0>} : vector<49x1xi32>
    %eq3A_7 = vector.broadcast %arg0 : i32 to vector<49x1xi32>
    %eq3A_8 = arith.cmpi eq, %iota3A, %eq3A_7 : vector<49x1xi32>
    %get3A = arith.constant 0 : index
    %get3A_9 = arith.constant 0 : index
    %get3A_10 = vector.load %arg7[%get3A, %get3A_9] : memref<49x2048xf32, #tpu.memory_space<vmem>>, vector<49x2048xf32>
    %convert_element_type3A_11 = arith.extui %eq3A_8 : vector<49x1xi1> to vector<49x1xi32>
    %convert_element_type3A_12 = arith.sitofp %convert_element_type3A_11 : vector<49x1xi32> to vector<49x1xf32>
    %dot_general3A = arith.constant dense<0.000000e+00> : vector<2048x1xf32>
    %dot_general3A_13 = tpu.matmul %get3A_10, %convert_element_type3A_12, %dot_general3A {dimension_numbers = #tpu.dot_dimension_numbers<[0], [0], [1], [1], [0, 1, 1, 1], [], []>, transpose_lhs_hint = false} : vector<49x2048xf32>, vector<49x1xf32>, vector<2048x1xf32> -> vector<2048x1xf32>
    %get3A_14 = arith.constant 0 : index
    %get3A_15 = arith.constant 0 : index
    %get3A_16 = vector.load %arg2[%get3A_14, %get3A_15] : memref<64x2048xf32, #tpu.memory_space<vmem>>, vector<64x2048xf32>
    %convert_element_type3A_17 = arith.truncf %get3A_16 : vector<64x2048xf32> to vector<64x2048xbf16>
    %get3A_18 = arith.constant 0 : index
    %get3A_19 = arith.constant 0 : index
    %get3A_20 = vector.load %arg5[%get3A_18, %get3A_19] : memref<64x1024xf32, #tpu.memory_space<vmem>>, vector<64x1024xf32>
    %convert_element_type3A_21 = arith.truncf %get3A_20 : vector<64x1024xf32> to vector<64x1024xbf16>
    %dot_general3A_22 = arith.constant dense<0.000000e+00> : vector<2048x1024xf32>
    %dot_general3A_23 = tpu.matmul %convert_element_type3A_17, %convert_element_type3A_21, %dot_general3A_22 {dimension_numbers = #tpu.dot_dimension_numbers<[0], [0], [1], [1], [0, 1, 1, 1], [], []>, transpose_lhs_hint = false} : vector<64x2048xbf16>, vector<64x1024xbf16>, vector<2048x1024xf32> -> vector<2048x1024xf32>
    %add3A = vector.broadcast %dot_general3A_13 : vector<2048x1xf32> to vector<2048x1024xf32>
    %add3A_24 = arith.addf %dot_general3A_23, %add3A : vector<2048x1024xf32>
    %swap3A = arith.index_cast %rem3A_2 : i32 to index
    %swap3A_25 = arith.constant 0 : index
    %swap3A_26 = arith.constant 0 : index
    %swap3A_27 = vector.load %arg8[%swap3A, %swap3A_25, %swap3A_26] : memref<4x2048x1024xf32, #tpu.memory_space<vmem>>, vector<1x2048x1024xf32>
    %swap3A_28 = vector.shape_cast %swap3A_27 : vector<1x2048x1024xf32> to vector<2048x1024xf32>
    %swap3A_29 = vector.shape_cast %add3A_24 : vector<2048x1024xf32> to vector<1x2048x1024xf32>
    tpu.vector_store %arg8[%swap3A, %swap3A_25, %swap3A_26], %swap3A_29 {strides = array<i32>} : memref<4x2048x1024xf32, #tpu.memory_space<vmem>>, vector<1x2048x1024xf32>,
    %lt3A = arith.constant 48 : i32
    %lt3A_30 = arith.cmpi slt, %arg0, %lt3A : i32
    %convert_element_type3A_31 = arith.extui %lt3A_30 : i1 to i32
    %cond3A_32 = arith.constant 0 : i32
    %cond3A_33 = arith.cmpi ne, %convert_element_type3A_31, %cond3A_32 : i32
    scf.if %cond3A_33 {
      %mul3A = arith.constant 2048 : i32
      %mul3A_39 = arith.muli %arg0, %mul3A : i32
      %dma_start3A = tpu.memref_slice %arg9[%rem3A_2] : memref<4x!tpu.dma_semaphore, #tpu.memory_space<semaphore_mem>> -> memref<1x!tpu.dma_semaphore, #tpu.memory_space<semaphore_mem>>
      %dma_start3A_40 = tpu.memref_squeeze %dma_start3A : memref<1x!tpu.dma_semaphore, #tpu.memory_space<semaphore_mem>> -> memref<!tpu.dma_semaphore, #tpu.memory_space<semaphore_mem>>
      %dma_start3A_41 = arith.constant 0 : i32
      %dma_start3A_42 = tpu.memref_slice %arg4[%mul3A_39, %dma_start3A_41] : memref<100000x1024xf32, #tpu.memory_space<any>> -> memref<2048x1024xf32, #tpu.memory_space<any>>
      %dma_start3A_43 = arith.constant 0 : i32
      %dma_start3A_44 = arith.constant 0 : i32
      %dma_start3A_45 = tpu.memref_slice %arg8[%rem3A_2, %dma_start3A_43, %dma_start3A_44] : memref<4x2048x1024xf32, #tpu.memory_space<vmem>> -> memref<1x2048x1024xf32, #tpu.memory_space<vmem>>
      %dma_start3A_46 = tpu.memref_squeeze %dma_start3A_45 : memref<1x2048x1024xf32, #tpu.memory_space<vmem>> -> memref<2048x1024xf32, #tpu.memory_space<vmem>>
      tpu.enqueue_dma source(%dma_start3A_46 : memref<2048x1024xf32, #tpu.memory_space<vmem>>) target(%dma_start3A_42 : memref<2048x1024xf32, #tpu.memory_space<any>>) target_semaphore(%dma_start3A_40 : memref<!tpu.dma_semaphore, #tpu.memory_space<semaphore_mem>>)
    } else {
    }
    %eq3A_34 = arith.constant 48 : i32
    %eq3A_35 = arith.cmpi eq, %arg0, %eq3A_34 : i32
    %convert_element_type3A_36 = arith.extui %eq3A_35 : i1 to i32
    %cond3A_37 = arith.constant 0 : i32
    %cond3A_38 = arith.cmpi ne, %convert_element_type3A_36, %cond3A_37 : i32
    scf.if %cond3A_38 {
      %dma_start3A = tpu.memref_slice %arg9[%rem3A_2] : memref<4x!tpu.dma_semaphore, #tpu.memory_space<semaphore_mem>> -> memref<1x!tpu.dma_semaphore, #tpu.memory_space<semaphore_mem>>
      %dma_start3A_39 = tpu.memref_squeeze %dma_start3A : memref<1x!tpu.dma_semaphore, #tpu.memory_space<semaphore_mem>> -> memref<!tpu.dma_semaphore, #tpu.memory_space<semaphore_mem>>
      %dma_start3A_40 = arith.constant 98304 : i32
      %dma_start3A_41 = arith.constant 0 : i32
      %dma_start3A_42 = tpu.memref_slice %arg4[%dma_start3A_40, %dma_start3A_41] : memref<100000x1024xf32, #tpu.memory_space<any>> -> memref<1696x1024xf32, #tpu.memory_space<any>>
      %dma_start3A_43 = arith.constant 0 : i32
      %dma_start3A_44 = arith.constant 0 : i32
      %dma_start3A_45 = tpu.memref_slice %arg8[%rem3A_2, %dma_start3A_43, %dma_start3A_44] : memref<4x2048x1024xf32, #tpu.memory_space<vmem>> -> memref<1x1696x1024xf32, #tpu.memory_space<vmem>>
      %dma_start3A_46 = tpu.memref_squeeze %dma_start3A_45 : memref<1x1696x1024xf32, #tpu.memory_space<vmem>> -> memref<1696x1024xf32, #tpu.memory_space<vmem>>
      tpu.enqueue_dma source(%dma_start3A_46 : memref<1696x1024xf32, #tpu.memory_space<vmem>>) target(%dma_start3A_42 : memref<1696x1024xf32, #tpu.memory_space<any>>) target_semaphore(%dma_start3A_39 : memref<!tpu.dma_semaphore, #tpu.memory_space<semaphore_mem>>)
      %dma_wait3A = arith.constant 1 : i32
      %dma_wait3A_47 = arith.constant 1 : i32
      %dma_wait3A_48 = tpu.memref_slice %arg9[%dma_wait3A_47] : memref<4x!tpu.dma_semaphore, #tpu.memory_space<semaphore_mem>> -> memref<1x!tpu.dma_semaphore, #tpu.memory_space<semaphore_mem>>
      %dma_wait3A_49 = tpu.memref_squeeze %dma_wait3A_48 : memref<1x!tpu.dma_semaphore, #tpu.memory_space<semaphore_mem>> -> memref<!tpu.dma_semaphore, #tpu.memory_space<semaphore_mem>>
      %dma_wait3A_50 = arith.constant 92160 : i32
      %dma_wait3A_51 = arith.constant 0 : i32
      %dma_wait3A_52 = tpu.memref_slice %arg4[%dma_wait3A_50, %dma_wait3A_51] : memref<100000x1024xf32, #tpu.memory_space<any>> -> memref<2048x1024xf32, #tpu.memory_space<any>>
      %dma_wait3A_53 = arith.constant 0 : i32
      %dma_wait3A_54 = arith.constant 0 : i32
      %dma_wait3A_55 = tpu.memref_slice %arg8[%dma_wait3A, %dma_wait3A_53, %dma_wait3A_54] : memref<4x2048x1024xf32, #tpu.memory_space<vmem>> -> memref<1x2048x1024xf32, #tpu.memory_space<vmem>>
      %dma_wait3A_56 = tpu.memref_squeeze %dma_wait3A_55 : memref<1x2048x1024xf32, #tpu.memory_space<vmem>> -> memref<2048x1024xf32, #tpu.memory_space<vmem>>
      tpu.wait_dma2 semaphore(%dma_wait3A_49 : memref<!tpu.dma_semaphore, #tpu.memory_space<semaphore_mem>>) src(%dma_wait3A_56 : memref<2048x1024xf32, #tpu.memory_space<vmem>>) dst(%dma_wait3A_52 : memref<2048x1024xf32, #tpu.memory_space<any>>)
      %dma_wait3A_57 = arith.constant 2 : i32
      %dma_wait3A_58 = arith.constant 2 : i32
      %dma_wait3A_59 = tpu.memref_slice %arg9[%dma_wait3A_58] : memref<4x!tpu.dma_semaphore, #tpu.memory_space<semaphore_mem>> -> memref<1x!tpu.dma_semaphore, #tpu.memory_space<semaphore_mem>>
      %dma_wait3A_60 = tpu.memref_squeeze %dma_wait3A_59 : memref<1x!tpu.dma_semaphore, #tpu.memory_space<semaphore_mem>> -> memref<!tpu.dma_semaphore, #tpu.memory_space<semaphore_mem>>
      %dma_wait3A_61 = arith.constant 94208 : i32
      %dma_wait3A_62 = arith.constant 0 : i32
      %dma_wait3A_63 = tpu.memref_slice %arg4[%dma_wait3A_61, %dma_wait3A_62] : memref<100000x1024xf32, #tpu.memory_space<any>> -> memref<2048x1024xf32, #tpu.memory_space<any>>
      %dma_wait3A_64 = arith.constant 0 : i32
      %dma_wait3A_65 = arith.constant 0 : i32
      %dma_wait3A_66 = tpu.memref_slice %arg8[%dma_wait3A_57, %dma_wait3A_64, %dma_wait3A_65] : memref<4x2048x1024xf32, #tpu.memory_space<vmem>> -> memref<1x2048x1024xf32, #tpu.memory_space<vmem>>
      %dma_wait3A_67 = tpu.memref_squeeze %dma_wait3A_66 : memref<1x2048x1024xf32, #tpu.memory_space<vmem>> -> memref<2048x1024xf32, #tpu.memory_space<vmem>>
      tpu.wait_dma2 semaphore(%dma_wait3A_60 : memref<!tpu.dma_semaphore, #tpu.memory_space<semaphore_mem>>) src(%dma_wait3A_67 : memref<2048x1024xf32, #tpu.memory_space<vmem>>) dst(%dma_wait3A_63 : memref<2048x1024xf32, #tpu.memory_space<any>>)
      %dma_wait3A_68 = arith.constant 3 : i32
      %dma_wait3A_69 = arith.constant 3 : i32
      %dma_wait3A_70 = tpu.memref_slice %arg9[%dma_wait3A_69] : memref<4x!tpu.dma_semaphore, #tpu.memory_space<semaphore_mem>> -> memref<1x!tpu.dma_semaphore, #tpu.memory_space<semaphore_mem>>
      %dma_wait3A_71 = tpu.memref_squeeze %dma_wait3A_70 : memref<1x!tpu.dma_semaphore, #tpu.memory_space<semaphore_mem>> -> memref<!tpu.dma_semaphore, #tpu.memory_space<semaphore_mem>>
      %dma_wait3A_72 = arith.constant 96256 : i32
      %dma_wait3A_73 = arith.constant 0 : i32
      %dma_wait3A_74 = tpu.memref_slice %arg4[%dma_wait3A_72, %dma_wait3A_73] : memref<100000x1024xf32, #tpu.memory_space<any>> -> memref<2048x1024xf32, #tpu.memory_space<any>>
      %dma_wait3A_75 = arith.constant 0 : i32
      %dma_wait3A_76 = arith.constant 0 : i32
      %dma_wait3A_77 = tpu.memref_slice %arg8[%dma_wait3A_68, %dma_wait3A_75, %dma_wait3A_76] : memref<4x2048x1024xf32, #tpu.memory_space<vmem>> -> memref<1x2048x1024xf32, #tpu.memory_space<vmem>>
      %dma_wait3A_78 = tpu.memref_squeeze %dma_wait3A_77 : memref<1x2048x1024xf32, #tpu.memory_space<vmem>> -> memref<2048x1024xf32, #tpu.memory_space<vmem>>
      tpu.wait_dma2 semaphore(%dma_wait3A_71 : memref<!tpu.dma_semaphore, #tpu.memory_space<semaphore_mem>>) src(%dma_wait3A_78 : memref<2048x1024xf32, #tpu.memory_space<vmem>>) dst(%dma_wait3A_74 : memref<2048x1024xf32, #tpu.memory_space<any>>)
      %dma_wait3A_79 = arith.constant 0 : i32
      %dma_wait3A_80 = arith.constant 0 : i32
      %dma_wait3A_81 = tpu.memref_slice %arg9[%dma_wait3A_80] : memref<4x!tpu.dma_semaphore, #tpu.memory_space<semaphore_mem>> -> memref<1x!tpu.dma_semaphore, #tpu.memory_space<semaphore_mem>>
      %dma_wait3A_82 = tpu.memref_squeeze %dma_wait3A_81 : memref<1x!tpu.dma_semaphore, #tpu.memory_space<semaphore_mem>> -> memref<!tpu.dma_semaphore, #tpu.memory_space<semaphore_mem>>
      %dma_wait3A_83 = arith.constant 98304 : i32
      %dma_wait3A_84 = arith.constant 0 : i32
      %dma_wait3A_85 = tpu.memref_slice %arg4[%dma_wait3A_83, %dma_wait3A_84] : memref<100000x1024xf32, #tpu.memory_space<any>> -> memref<1696x1024xf32, #tpu.memory_space<any>>
      %dma_wait3A_86 = arith.constant 0 : i32
      %dma_wait3A_87 = arith.constant 0 : i32
      %dma_wait3A_88 = tpu.memref_slice %arg8[%dma_wait3A_79, %dma_wait3A_86, %dma_wait3A_87] : memref<4x2048x1024xf32, #tpu.memory_space<vmem>> -> memref<1x1696x1024xf32, #tpu.memory_space<vmem>>
      %dma_wait3A_89 = tpu.memref_squeeze %dma_wait3A_88 : memref<1x1696x1024xf32, #tpu.memory_space<vmem>> -> memref<1696x1024xf32, #tpu.memory_space<vmem>>
      tpu.wait_dma2 semaphore(%dma_wait3A_82 : memref<!tpu.dma_semaphore, #tpu.memory_space<semaphore_mem>>) src(%dma_wait3A_89 : memref<1696x1024xf32, #tpu.memory_space<vmem>>) dst(%dma_wait3A_85 : memref<1696x1024xf32, #tpu.memory_space<any>>)
    } else {
    }
    return
  }
  func.func @transform_1(%arg0: i32) -> (i32, i32) {
    %c0_i32 = arith.constant 0 : i32
    %c0_i32_0 = arith.constant 0 : i32
    return %c0_i32, %arg0 : i32, i32
  }
}

</mosaic_0001>

<sc_bundles>
// kernel: kernel.4.cloned.1.call-start
scs
__scs_entry_jumppad:
0x0: {  	(pc) =	sbr.rel $0x88, $3  }
0x1: {  	(tag) =	ssettag $0x0;
	lr =	simm.s32 $0x1  }
0x2: {  	[smem:$0x3F9D] =	sst lr;
	_ =	strace $0xD0000000  }
0x3: {  	_ = 	snop  }
0x4: {  	_ = 	snop  }
0x5: {  	_ = 	snop  }
0x6: {  	_ = 	snop  }
0x7: {  	_ = 	snop  }
__scs_overlays_trampoline_lowered:
0x8: {  	[smem:$0x3FAC] =	sst s0  }
0x9: {  	[smem:$0x3FAD] =	sst s1  }
0xa: {  	[smem:$0x3FAE] =	sst s2  }
0xb: {  	[smem:$0x3FAF] =	sst s3  }
0xc: {  	[smem:$0x3FB0] =	sst s4  }
0xd: {  	[smem:$0x3FB1] =	sst s5  }
0xe: {  	[smem:$0x3FB2] =	sst s6  }
0xf: {  	[smem:$0x3FB3] =	sst s7  }
0x10: {  	[smem:$0x3FB4] =	sst s8  }
0x11: {  	[smem:$0x3FB5] =	sst s9;
	s0 =	simm.s32 @!p0 $0x0  }
0x12: {  	s1 =	sld [smem:$0x3F9B];
	s0 =	simm.s32 @p0 $0x1  }
0x13: {  	[smem:$0x3FB6] =	sst s0;
	s0 =	simm.s32 @!p1 $0x0  }
0x14: {  	s2 =	sld [smem:$0x3F9A];
	s0 =	simm.s32 @p1 $0x1  }
0x15: {  	[smem:$0x3FB7] =	sst s0;
	s0 =	simm.s32 @!p2 $0x0  }
0x16: {  	s3 =	sld [smem:$0x3FDB];
	s0 =	simm.s32 @p2 $0x1  }
0x17: {  	s4 =	simm.s32 $0x1BF5;
	[smem:$0x3FB9] =	sst s0  }
0x18: {  	s0 =	sld [smem:$0x3F9C];
	_ =	swait.ge [sflag:s4], $0x0  }
0x19: {  	s7 =	sld [smem:$0x3F9D]  }
0x1a: {  	s8 =	sadd.s32 $0xFFFFE003, lr  }
0x1b: {  	s9 =	sadd.s32 $0xFFFFFEF7, lr;
	s5 =	simm.s32 $0xFFFFFFFF;
	p2 =	slt.u32 s8, $0xFFFFF086  }
0x1c: {  	p1 =	slt.u32 s9, $0xF7A;
	s5 =	simm.s32 @!p2 $0x0  }
0x1d: {  	s5 =	simm.s32 @p1 $0x1;
	p0 =	seq.s32 s7, s2  }
0x1e: {  	s7 =	smul.u32 @!p0 $0xF7A, s2;
	p2 =	seq.s32 @!p0 s5, $0x0  }
0x1f: {  	s9 =	smul.u32 $0xF7A, s1;
	s8 =	simm.s32 @!p0 $0x1BF5;
	p2 =	por !p2, p0  }
0x20: {  	[sflag:s8] =	ssyncset.s32 @!p0 $0xFFFFF086;
	s6 =	sadd.s32 @!p0 s3, s7;
	s7 =	simm.s32 @!p0 $0x108  }
0x21: {  	s3 =	sadd.s32 s3, s9;
	s6 =	sadd.s32 @!p0 $0x88, s6;
	s7 =	simm.s32 @p2 $0x1082  }
0x22: {  	[simem:s7], [sflag:s8] =	dma.local @!p0 [hbm:s6], $0xF7A  }
0x23: {  	s9 =	sor.u32 $0xD0000000, s2;
	s6 =	simm.s32 $0x108;
	_ =	swait.ge @!p0 [sflag:s8], $0x0  }
0x24: {  	s3 =	sadd.s32 $0x88, s3;
	s6 =	simm.s32 @!p1 $0x1082;
	[sflag:s4] =	ssyncset.s32 $0xFFFFF086  }
0x25: {  	[simem:s6], [sflag:s4] =	dma.local [hbm:s3], $0xF7A  }
0x26: {  	[smem:$0x3F9D] =	sst s1;
	(tag) =	ssettag s2;
	_ =	strace s9  }
0x27: {  	s1 =	sld [smem:$0x3FAD]  }
0x28: {  	s2 =	sld [smem:$0x3FAE]  }
0x29: {  	s4 =	sld [smem:$0x3FB0]  }
0x2a: {  	p0 =	seq.s32 s5, $0x0;
	s5 =	sld [smem:$0x3FB1]  }
0x2b: {  	s6 =	sld [smem:$0x3FB2]  }
0x2c: {  	s7 =	sld [smem:$0x3FB3]  }
0x2d: {  	s3 =	simm.s32 $0x108;
	s8 =	sld [smem:$0x3FB4]  }
0x2e: {  	s3 =	simm.s32 @!p0 $0x1082;
	s9 =	sld [smem:$0x3FB5]  }
0x2f: {  	lr =	sadd.s32 s0, s3;
	s0 =	sld [smem:$0x3FAC]  }
0x30: {  	s3 =	sld [smem:$0x3FAF]  }
0x31: {  	[smem:$0x3FB8] =	sst s10  }
0x32: {  	s10 =	sld [smem:$0x3FB6];
	_ =	sdelay $0x3  }
0x33: {  	p0 =	seq.s32 s10, $0x1;
	s10 =	sld [smem:$0x3FB8];
	_ =	sdelay $0x3  }
0x34: {  	[smem:$0x3FB8] =	sst s10  }
0x35: {  	s10 =	sld [smem:$0x3FB7];
	_ =	sdelay $0x3  }
0x36: {  	p1 =	seq.s32 s10, $0x1;
	s10 =	sld [smem:$0x3FB8];
	_ =	sdelay $0x3  }
0x37: {  	[smem:$0x3FB8] =	sst s10  }
0x38: {  	s10 =	sld [smem:$0x3FB9]  }
0x39: {  	_ = 	snop;
	(pc) =	sbr.ind lr, $3  }
0x3a: {  	_ = 	snop  }
0x3b: {  	_ = 	snop  }
0x3c: {  	p2 =	seq.s32 s10, $0x1;
	s10 =	sld [smem:$0x3FB8]  }
0x3d: {  	_ =	shalt  }
0x3e: {  	_ =	shalt  }
0x3f: {  	_ =	shalt  }
0x40: {  	_ =	shalt  }
0x41: {  	_ =	shalt  }
0x42: {  	_ =	shalt  }
0x43: {  	_ =	shalt  }
0x44: {  	_ =	shalt  }
0x45: {  	_ =	shalt  }
0x46: {  	_ =	shalt  }
0x47: {  	_ =	shalt  }
0x48: {  	_ =	shalt  }
0x49: {  	_ =	shalt  }
0x4a: {  	_ =	shalt  }
0x4b: {  	_ =	shalt  }
0x4c: {  	_ =	shalt  }
0x4d: {  	_ =	shalt  }
0x4e: {  	_ =	shalt  }
0x4f: {  	_ =	shalt  }
0x50: {  	_ =	shalt  }
0x51: {  	_ =	shalt  }
0x52: {  	_ =	shalt  }
0x53: {  	_ =	shalt  }
0x54: {  	_ =	shalt  }
0x55: {  	_ =	shalt  }
0x56: {  	_ =	shalt  }
0x57: {  	_ =	shalt  }
0x58: {  	_ =	shalt  }
0x59: {  	_ =	shalt  }
0x5a: {  	_ =	shalt  }
0x5b: {  	_ =	shalt  }
0x5c: {  	_ =	shalt  }
0x5d: {  	_ =	shalt  }
0x5e: {  	_ =	shalt  }
0x5f: {  	_ =	shalt  }
0x60: {  	_ =	shalt  }
0x61: {  	_ =	shalt  }
0x62: {  	_ =	shalt  }
0x63: {  	_ =	shalt  }
0x64: {  	_ =	shalt  }
0x65: {  	_ =	shalt  }
0x66: {  	_ =	shalt  }
0x67: {  	_ =	shalt  }
0x68: {  	_ =	shalt  }
0x69: {  	_ =	shalt  }
0x6a: {  	_ =	shalt  }
0x6b: {  	_ =	shalt  }
0x6c: {  	_ =	shalt  }
0x6d: {  	_ =	shalt  }
0x6e: {  	_ =	shalt  }
0x6f: {  	_ =	shalt  }
0x70: {  	_ =	shalt  }
0x71: {  	_ =	shalt  }
0x72: {  	_ =	shalt  }
0x73: {  	_ =	shalt  }
0x74: {  	_ =	shalt  }
0x75: {  	_ =	shalt  }
0x76: {  	_ =	shalt  }
0x77: {  	_ =	shalt  }
0x78: {  	_ =	shalt  }
0x79: {  	_ =	shalt  }
0x7a: {  	_ =	shalt  }
0x7b: {  	_ =	shalt  }
0x7c: {  	_ =	shalt  }
0x7d: {  	_ =	shalt  }
0x7e: {  	_ =	shalt  }
0x7f: {  	_ =	shalt  }
0x80: {  	_ =	shalt  }
0x81: {  	_ =	shalt  }
0x82: {  	_ =	shalt  }
0x83: {  	_ =	shalt  }
0x84: {  	_ =	shalt  }
0x85: {  	_ =	shalt  }
0x86: {  	_ =	shalt  }
0x87: {  	_ =	shalt  }
.Lfunc_end0:
.L_simem_size_0:
called_computation_lowered:
.L_overlay_start_0:
0x88: {  	s2 =	sld [smem:$0x3FD9]  }
0x89: {  	s3 =	sld [smem:$0x3FFE];
	_ =	sdelay $0x1  }
0x8a: {  	s1 =	srdreg.scid  }
0x8b: {  	s0 =	sand.u32 $0x1, s1  }
0x8c: {  	s17 =	sshll.u32 s0, $0xA;
	s2 =	sadd.s32 s3, s2  }
0x8d: {  	s2 =	sadd.s32 s2, s17  }
0x8e: {  	[smem:$0x3FC4] =	sst s2  }
0x8f: {  	_ = 	snop  }
0x90: {  	s2 =	sld [smem:$0x3FD0];
	(tm) =	ssettm $0x1  }
0x91: {  	s18 =	sld [smem:$0x3FFB];
	_ =	sdelay $0x3  }
0x92: {  	_ =	strace s18  }
0x93: {  	s3 =	sld [smem:$0x3FFC];
	_ =	sdelay $0x3  }
0x94: {  	_ =	strace s3  }
0x95: {  	s3 =	sld [smem:$0x3FFD];
	_ =	sdelay $0x3  }
0x96: {  	_ =	strace s3  }
0x97: {  	_ =	strace $0x8FFFFFFF  }
0x98: {  	s19 =	sld [smem:$0x3FDB];
	_ =	sdelay $0x1  }
0x99: {  	s4 =	simm.s32 $_scs_section_size  }
0x9a: {  	s5 =	simm.s32 $_size__tile_overlayer_lowered;
	s6 =	simm.s32 $_tile_overlayer_lowered  }
0x9b: {  	s22 =	simm.s32 $0x1BFF;
	s21 =	sshll.u32 s6, $0x1;
	s3 =	sadd.s32 s4, s19  }
0x9c: {  	s7 =	simm.s32 $0x0;
	s20 =	sshll.u32 s5, $0x1;
	s5 =	sadd.s32 s21, s3  }
0x9d: {  	[timem:s7], [sflag:s22] =	dma.local [hbm:s5], s20  }
0x9e: {  	_ =	swait.ge [sflag:s22], s20  }
0x9f: {  	s4 =	ssub.s32 $0x0, s20;
	[sflag:s22] =	ssyncset.done $0x0  }
0xa0: {  	[sflag:s22] =	ssyncadd.s32 s4;
	_ =	sdelay $0x1  }
0xa1: {  	s23 =	simm.s32 $0x1B8B  }
0xa2: {  	_ =	swait.ge [sflag:s23], $0x1  }
0xa3: {  	[sflag:s23] =	ssyncset.done $0x0  }
0xa4: {  	s25 =	simm.s32 $0x1B8E;
	s24 =	sld [smem:$0x3FFE];
	[sflag:s23] =	ssyncadd.s32 $0xFFFFFFFF  }
0xa5: {  	s26 =	simm.s32 $execute0_lowered;
	[smem:$0x3FD2] =	sst s25  }
0xa6: {  	s5 =	sshll.u32 s26, $0x1;
	_ =	strace $0x80000046;
	[dreg:$0x1] =	wrdreg $0xFFFFFFFF  }
0xa7: {  	s28 =	simm.s32 $_size_execute0_lowered;
	s3 =	sadd.s32 s3, s5;
	[dreg:$0x0] =	wrdreg $0x0  }
0xa8: {  	s5 =	sshll.u32 s28, $0x1;
	[dreg:$0x2] =	wrdreg s3  }
0xa9: {  	[dreg:$0x3] =	wrdreg s5  }
0xaa: {  	[dreg:$0x4] =	wrdreg $0xC0  }
0xab: {  	_ =	task [dreg:s7], $0x5FFFF  }
0xac: {  	[dreg:$0x1] =	wrdreg $0xFFFFFFFF  }
0xad: {  	[dreg:$0x0] =	wrdreg $0x60  }
0xae: {  	[dreg:$0x2] =	wrdreg s2  }
0xaf: {  	[dreg:$0x3] =	wrdreg s24  }
0xb0: {  	[dreg:$0x4] =	wrdreg $0x9  }
0xb1: {  	_ =	task.clear_ibuf [dreg:s7], $0x5FFFF;
	_ =	strace $0x90000046  }
0xb2: {  	s29 =	simm.s32 $0x9;
	_ =	strace $0x80000048  }
0xb3: {  	_ =	swait.ge [sflag:s29], $0x1  }
0xb4: {  	[sflag:s29] =	ssyncadd.s32 $0xFFFFFFFF  }
0xb5: {  	_ =	strace $0x90000048  }
0xb6: {  	_ =	sfence  }
0xb7: {  	s30 =	sld [smem:$0x0];
	_ =	sdelay $0x2  }
0xb8: {  	s31 =	sshll.u32 s1, $0xD;
	s1 =	sshrl.u32 s1, $0x2  }
0xb9: {  	s3 =	sand.u32 $0x4000, s31;
	s1 =	sadd.s32 s1, s30  }
0xba: {  	s0 =	sor.u32 s3, s0;
	s1 =	sshll.u32 s1, $0x11  }
0xbb: {  	s0 =	sor.u32 s1, s0  }
0xbc: {  	s0 =	sadd.s32 $0x8F2B, s0  }
0xbd: {  	[sflag:s0] =	ssyncadd.remote.s32 $0x1  }
0xbe: {  	_ =	sfence.sel $0xFFFF  }
0xbf: {  	[dreg:$0x0] =	wrdreg $0xFFFFFFFF;
	(pc) =	sbr.abs _section_cstart, $3  }
0xc0: {  	[dreg:$0x1] =	wrdreg $0xFFFFFFFF  }
0xc1: {  	_ =	task.clear_ibuf [dreg:s7], $0x2FFFF;
	_ =	strace $0x9FFFFFFF  }
0xc2: {  	(tm) =	ssettm $0x7FFFFFFF  }
0xc3: {  	_ =	shalt  }
tec
execute0_lowered:
.L_overlay_start_1:
0x0: {  	(tag) =	ssettag $0x1  }
0x1: {  	s1 =	srdreg.scid;
	s0 =	stileid.u32  }
0x2: {  	s2 =	rddreg [dreg:$0x0];
	s6 =	sand.u32 $0x1, s1;
	s30 =	sshll.u32 s0, $0x1  }
0x3: {  	s8 =	rddreg [dreg:$0x1];
	s7 =	sor.u32 s6, s30  }
0x4: {  	s3 =	simm.s32 $0x0;
	s1 =	rddreg [dreg:$0x2];
	s4 =	smul.u32 $0x50, s7  }
0x5: {  	[smem:$0x7FF] =	sst s3  }
0x6: {  	_ =	strace $0x80000047;
	s10 =	ssub.s32 $0x2, s6;
	s4 =	sadd.s32 s4, s8  }
0x7: {  	s6 =	simm.s32 $0x280;
	s5 =	sadd.s32 $0x600, s4;
	s4 =	simm.s32 $0x2  }
0x8: {  	[tilespmem:s3], [sflag:$0x2] =	stream.linear.gather [hbm4b:s5+s3], $0x280, $0x38;
	[tilespmem:$0x5280] =	vst v63  }
0x9: {  	s9 =	smul.u32 $0xA00, s7;
	s11 =	sshrl.u32 s10, $0x1;
	_ =	swait.ge [sflag:s4], $0x280  }
0xa: {  	s7 =	simm.s32 $0x1;
	s31 =	ssub.s32 s10, s11;
	[sflag:s4] =	ssyncset.done $0x0  }
0xb: {  	s8 =	sadd.s32 s9, s8;
	s9 =	smax.u32 s31, $0x1;
	[sflag:s4] =	ssyncadd.s32 $0xFFFFFD80  }
0xc: {  	[tilespmem:s6], [sflag:$0x1] =	stream.indirect.gather [hbm4b:s2+s6], $0x20, s3, s6, $0xb8;
	[tilespmem:$0x5280] =	vst v63  }
0xd: {  	p0 =	sne.s32 s9, $0x1;
	_ =	swait.ge [sflag:s7], $0x5000  }
.Ltmp0:
0xe: {  	[sflag:s7] =	ssyncset.done $0x0;
	(pc) =	sbr.rel @!p0 .LBB2_2-.Ltmp0, $4  }
0xf: {  	s8 =	sadd.s32 $0x1000, s8;
	[sflag:s7] =	ssyncadd.s32 $0xFFFFB000  }
0x10: {  	[hbm4b:s8+s3] =	stream.linear.scatter [tilespmem:s6], [sflag:$0x2], $0x5000, $0x38;
	[tilespmem:$0x5280] =	vst v63  }
0x11: {  	_ =	swait.ge [sflag:s4], $0x5000  }
0x12: {  	s9 =	sadd.s32 $0xFFFFFFFF, s9;
	[sflag:s4] =	ssyncset.done $0x0  }
.LBB2_1:
0x13: {  	p0 =	sne.s32 s9, $0x1;
	s9 =	sadd.s32 $0xFFFFFFFF, s9;
	[sflag:s4] =	ssyncadd.s32 $0xFFFFB000  }
0x14: {  	[tilespmem:s3], [sflag:$0x2] =	stream.linear.gather [hbm4b:s5+s3], $0x280, $0x38;
	[tilespmem:$0x5280] =	vst v63  }
0x15: {  	_ =	swait.ge [sflag:s4], $0x280  }
0x16: {  	[sflag:s4] =	ssyncset.done $0x0  }
0x17: {  	[sflag:s4] =	ssyncadd.s32 $0xFFFFFD80  }
0x18: {  	[tilespmem:s6], [sflag:$0x1] =	stream.indirect.gather [hbm4b:s2+s6], $0x20, s3, s6, $0xb8;
	[tilespmem:$0x5280] =	vst v63  }
0x19: {  	_ =	swait.ge [sflag:s7], $0x5000  }
.Ltmp1:
0x1a: {  	[sflag:s7] =	ssyncset.done $0x0;
	(pc) =	sbr.rel @p0 .LBB2_1-.Ltmp1, $4  }
0x1b: {  	[sflag:s7] =	ssyncadd.s32 $0xFFFFB000  }
0x1c: {  	[hbm4b:s8+s3] =	stream.linear.scatter [tilespmem:s6], [sflag:$0x2], $0x5000, $0x38;
	[tilespmem:$0x5280] =	vst v63  }
0x1d: {  	_ =	swait.ge [sflag:s4], $0x5000  }
0x1e: {  	[sflag:s4] =	ssyncset.done $0x0  }
.LBB2_2:
0x1f: {  	[sflag:s4] =	ssyncadd.s32 $0xFFFFB000  }
0x20: {  	_ =	sfence.sel $0x180000  }
0x21: {  	[bflag:$0x0] =	sbarrier.arrive $0xFFFF  }
0x22: {  	p0 =	sne.s32 s0, $0x0;
	_ =	strace $0x90000047  }
0x23: {  	s0 =	sadd.s32 @!p0 $0x100000, s1;
	[bflag:$0x2] =	sbarrier.arrive $0xFFFF  }
0x24: {  	[sflag:s0] =	ssyncadd.tile.s32 @!p0 $0x1;
	_ =	shalt  }
.Lfunc_end2:
_tile_overlayer_lowered:
.L_overlay_start_2:
0x25: {  	(tag) =	ssettag $0x2  }
0x26: {  	s0 =	rddreg [dreg:$0x0];
	s2 =	stileid.u32  }
0x27: {  	s1 =	rddreg [dreg:$0x1];
	p0 =	sne.s32 s2, $0x0  }
0x28: {  	s3 =	rddreg [dreg:$0x2];
	[bflag:$0x3] =	sbarrier.arrive $0xFFFF;
	s2 =	simm.s32 @!p0 $0x1C02  }
0x29: {  	[timem:s3], [sflag:s2] =	dma.local @!p0 [hbm:s0], s1  }
0x2a: {  	s0 =	simm.s32 @!p0 $0x2  }
0x2b: {  	_ =	swait.ge @!p0 [sflag:s0], s1  }
0x2c: {  	s1 =	ssub.s32 @!p0 $0x0, s1;
	[sflag:s0] =	ssyncset.done @!p0 $0x0  }
0x2d: {  	[sflag:s0] =	ssyncadd.s32 @!p0 s1  }
0x2e: {  	[bflag:$0x3] =	sbarrier.arrive $0xFFFF  }
0x2f: {  	_ =	shalt  }

</sc_bundles>
